<compile_context>
chip_gen: v7x
topology: tpu7x:2x2x1
jax: 0.10.2.dev20260603
libtpu: 0.0.44.dev20260713+nightly
codegen_flags: <defaults>
</compile_context>

<pallas_src>
import functools

import jax
import jax.numpy as jnp
import numpy as np
from jax import lax
from jax.experimental import pallas as pl
from jax.experimental.pallas import tpu as pltpu
from jax.experimental.pallas import tpu_sc as plsc

N = 320000
D = 128
S = 10000
NC = 2
NS = 16
NW = NC * NS
FW = N // NW
F = 80
NCHUNK = FW // F
NBUF = 3
RPT = 632
CW = 16


def _sc_body(frames_hbm, ids_hbm, zsum_hbm, zcnt_hbm, ones_hbm,
             sums_out, cnts_out,
             fbuf, idbuf, ones_v, ssum, scnt, gsem, ssem):
    cid = lax.axis_index("c")
    sid = lax.axis_index("s")
    wid = cid * NS + sid
    r0 = jnp.minimum(sid * RPT, S - RPT)

    fbase = wid * FW
    ibase = wid * NCHUNK

    def issue_gather(k, bb):
        pltpu.async_copy(frames_hbm.at[pl.ds(fbase + k * F, F)],
                         fbuf.at[pl.ds(bb * F, F)], gsem.at[bb])
        pltpu.async_copy(ids_hbm.at[pl.ds(ibase + k, 1)],
                         idbuf.at[pl.ds(bb, 1)], gsem.at[bb])

    def wait_gather(bb):
        pltpu.make_async_copy(frames_hbm.at[pl.ds(0, F)],
                              fbuf.at[pl.ds(bb * F, F)], gsem.at[bb]).wait()
        pltpu.make_async_copy(ids_hbm.at[pl.ds(0, 1)],
                              idbuf.at[pl.ds(bb, 1)], gsem.at[bb]).wait()

    def issue_scatters(bb):
        row = idbuf.at[bb]
        pltpu.async_copy(fbuf.at[pl.ds(bb * F, F)], ssum.at[row],
                         ssem.at[bb], add=True)
        pltpu.async_copy(ones_v, scnt.at[row], ssem.at[bb], add=True)

    def wait_scatters(bb):
        row = idbuf.at[bb]
        pltpu.make_async_copy(fbuf.at[pl.ds(bb * F, F)], ssum.at[row],
                              ssem.at[bb]).wait()
        pltpu.make_async_copy(ones_v, scnt.at[row], ssem.at[bb]).wait()

    issue_gather(0, 0)
    issue_gather(1, 1)

    pltpu.sync_copy(zsum_hbm.at[pl.ds(r0, RPT)], ssum.at[pl.ds(r0, RPT)])
    pltpu.sync_copy(zcnt_hbm.at[pl.ds(r0, RPT)], scnt.at[pl.ds(r0, RPT)])
    pltpu.sync_copy(ones_hbm, ones_v)
    plsc.subcore_barrier()

    def body(k, carry):
        bb = lax.rem(k, NBUF)
        nb = lax.rem(k + 2, NBUF)
        wait_gather(bb)

        @pl.when(k >= 1)
        def _():
            wait_scatters(nb)

        @pl.when(k + 2 < NCHUNK)
        def _():
            issue_gather(k + 2, nb)

        issue_scatters(bb)
        return carry

    lax.fori_loop(0, NCHUNK, body, 0)
    wait_scatters((NCHUNK - 1) % NBUF)
    plsc.subcore_barrier()

    pltpu.async_copy(ssum.at[pl.ds(r0, RPT)],
                     sums_out.at[pl.ds(cid * S + r0, RPT)], gsem.at[0])
    pltpu.async_copy(scnt.at[pl.ds(r0, RPT)],
                     cnts_out.at[pl.ds(cid * S + r0, RPT)], gsem.at[1])
    pltpu.make_async_copy(ssum.at[pl.ds(r0, RPT)],
                          sums_out.at[pl.ds(cid * S + r0, RPT)], gsem.at[0]).wait()
    pltpu.make_async_copy(scnt.at[pl.ds(r0, RPT)],
                          cnts_out.at[pl.ds(cid * S + r0, RPT)], gsem.at[1]).wait()


_sc_segment_sum = functools.partial(
    pl.kernel,
    out_type=[
        jax.ShapeDtypeStruct((NC * S, D), jnp.float32),
        jax.ShapeDtypeStruct((NC * S, CW), jnp.float32),
    ],
    mesh=plsc.VectorSubcoreMesh(core_axis_name="c", subcore_axis_name="s"),
    compiler_params=pltpu.CompilerParams(use_tc_tiling_on_sc=False),
    scratch_types=[
        pltpu.VMEM((NBUF * F, D), jnp.float32),
        pltpu.VMEM((NBUF, F), jnp.int32),
        pltpu.VMEM((F, CW), jnp.float32),
        pltpu.VMEM_SHARED((S, D), jnp.float32),
        pltpu.VMEM_SHARED((S, CW), jnp.float32),
        pltpu.SemaphoreType.DMA((NBUF,)),
        pltpu.SemaphoreType.DMA((NBUF,)),
    ],
)(_sc_body)


_BS = 1000


def _combine_body(s_ref, c_ref, o_ref):
    s = s_ref[0] + s_ref[1]
    c = c_ref[0, :, 0:1] + c_ref[1, :, 0:1]
    o_ref[...] = s / (c + 1e-8)


_combine = pl.pallas_call(
    _combine_body,
    grid=(S // _BS,),
    in_specs=[
        pl.BlockSpec((2, _BS, D), lambda i: (0, i, 0)),
        pl.BlockSpec((2, _BS, CW), lambda i: (0, i, 0)),
    ],
    out_specs=pl.BlockSpec((_BS, D), lambda i: (i, 0)),
    out_shape=jax.ShapeDtypeStruct((S, D), jnp.float32),
)


_ZSUM = np.zeros((S, D), np.float32)
_ZCNT = np.zeros((S, CW), np.float32)
_ONES = np.ones((F, CW), np.float32)


def kernel(frame_features, segment_ids, num_segments):
    ids2d = segment_ids.astype(jnp.int32).reshape(N // F, F)
    sums, cnts = _sc_segment_sum(frame_features, ids2d, _ZSUM, _ZCNT, _ONES)
    return _combine(sums.reshape(NC, S, D), cnts.reshape(NC, S, CW))

# --- scband reference (transcript-rebuilt; emitter-appended) ---
"""Pipeline reference for scband-segment-transcription-model-26190710571324 (READ-ONLY COPY).

The authoritative reference and input builder live on the scoring server;
editing this copy changes nothing except your own understanding.
"""

import jax, jax.numpy as jnp
import numpy as np

N = 320000
D = 128
S = 10000

def setup_inputs(seed: int = 0) -> dict:
    key = jax.random.key(seed)
    k1, k2 = jax.random.split(key)
    frame_features = jax.random.normal(k1, (N, D), dtype=jnp.float32)
    segment_ids = jnp.sort(jax.random.randint(k2, (N,), 0, S)).astype(jnp.int64)
    return {"frame_features": frame_features, "segment_ids": segment_ids, "num_segments": S}


def reference(frame_features, segment_ids, num_segments):
    # Faithful translation of SegmentFeatureProcessor.aggregate_features:
    # mean pooling of frame features into segments via scatter-add
    total_frames, feature_dim = frame_features.shape
    epsilon = 1e-8
    segment_ids = jnp.minimum(segment_ids, num_segments - 1)
    sum_features = jnp.zeros((S, feature_dim), dtype=frame_features.dtype)
    sum_features = sum_features.at[segment_ids].add(frame_features)
    ones = jnp.ones((total_frames, 1), dtype=frame_features.dtype)
    frame_counts = jnp.zeros((S, 1), dtype=frame_features.dtype)
    frame_counts = frame_counts.at[segment_ids].add(ones)
    aggregated = sum_features / (frame_counts + epsilon)
    return aggregated

if __name__ == "__main__":
    import jax
    _d = setup_inputs()
    print(jax.jit(kernel)(*tuple(_d.values())))

</pallas_src>

<mosaic_0001>
#map = affine_map<(d0, d1) -> (0, 0)>
module attributes {stable_mosaic.version = 14 : i64} {
  func.func @_sc_body(%arg0: i32, %arg1: i32, %arg2: memref<320000x128xf32, #tpu.memory_space<hbm>>, %arg3: memref<4000x80xi32, #tpu.memory_space<hbm>>, %arg4: memref<10000x128xf32, #tpu.memory_space<hbm>>, %arg5: memref<10000x16xf32, #tpu.memory_space<hbm>>, %arg6: memref<80x16xf32, #tpu.memory_space<hbm>>, %arg7: memref<20000x128xf32, #tpu.memory_space<hbm>>, %arg8: memref<20000x16xf32, #tpu.memory_space<hbm>>, %arg9: memref<240x128xf32, #tpu.memory_space<vmem>>, %arg10: memref<3x80xi32, #tpu.memory_space<vmem>>, %arg11: memref<80x16xf32, #tpu.memory_space<vmem>>, %arg12: memref<10000x128xf32, #tpu.memory_space<vmem_shared>>, %arg13: memref<10000x16xf32, #tpu.memory_space<vmem_shared>>, %arg14: memref<3x!tpu.dma_semaphore, #tpu.memory_space<semaphore_mem>>, %arg15: memref<3x!tpu.dma_semaphore, #tpu.memory_space<semaphore_mem>>) attributes {dimension_semantics = [#tpu.dimension_semantics<core_parallel>, #tpu.dimension_semantics<subcore_parallel>], iteration_bounds = array<i64: 2, 16>, scalar_prefetch = 0 : i64, scratch_operands = 7 : i64, tpu.core_type = #tpu.core_type<sc_vector_subcore>, window_params = [{transform_indices = #map}, {transform_indices = #map}, {transform_indices = #map}, {transform_indices = #map}, {transform_indices = #map}, {transform_indices = #map}, {transform_indices = #map}]} {
    %mul3A = arith.constant 16 : i32
    %mul3A_0 = arith.muli %arg0, %mul3A : i32
    %add3A = arith.addi %mul3A_0, %arg1 : i32
    %mul3A_1 = arith.constant 632 : i32
    %mul3A_2 = arith.muli %arg1, %mul3A_1 : i32
    %min3A = arith.constant 9368 : i32
    %min3A_3 = arith.minsi %mul3A_2, %min3A : i32
    %mul3A_4 = arith.constant 10000 : i32
    %mul3A_5 = arith.muli %add3A, %mul3A_4 : i32
    %mul3A_6 = arith.constant 125 : i32
    %mul3A_7 = arith.muli %add3A, %mul3A_6 : i32
    %add3A_8 = arith.constant 0 : i32
    %add3A_9 = arith.addi %mul3A_5, %add3A_8 : i32
    %dma_start3A = arith.constant 0 : i32
    %dma_start3A_10 = arith.constant 0 : i32
    %dma_start3A_11 = arith.constant 0 : i32
    %dma_start3A_12 = tpu.memref_slice %arg9[%dma_start3A_10, %dma_start3A_11] : memref<240x128xf32, #tpu.memory_space<vmem>> -> memref<80x128xf32, #tpu.memory_space<vmem>>
    %dma_start3A_13 = arith.constant 0 : i32
    %dma_start3A_14 = tpu.memref_slice %arg2[%add3A_9, %dma_start3A_13] : memref<320000x128xf32, #tpu.memory_space<hbm>> -> memref<80x128xf32, #tpu.memory_space<hbm>>
    %dma_start3A_15 = tpu.memref_slice %arg14[%dma_start3A] : memref<3x!tpu.dma_semaphore, #tpu.memory_space<semaphore_mem>> -> memref<1x!tpu.dma_semaphore, #tpu.memory_space<semaphore_mem>>
    %dma_start3A_16 = tpu.memref_squeeze %dma_start3A_15 : memref<1x!tpu.dma_semaphore, #tpu.memory_space<semaphore_mem>> -> memref<!tpu.dma_semaphore, #tpu.memory_space<semaphore_mem>>
    %dma_start3A_17 = arith.constant 0 : i32
    %dma_start3A_18 = arith.constant 0 : i32
    %dma_start3A_19 = tpu.memref_slice %arg9[%dma_start3A_17, %dma_start3A_18] : memref<240x128xf32, #tpu.memory_space<vmem>> -> memref<80x128xf32, #tpu.memory_space<vmem>>
    %dma_start3A_20 = arith.constant 0 : i32
    %dma_start3A_21 = tpu.memref_slice %arg2[%add3A_9, %dma_start3A_20] : memref<320000x128xf32, #tpu.memory_space<hbm>> -> memref<80x128xf32, #tpu.memory_space<hbm>>
    tpu.enqueue_dma source(%dma_start3A_21 : memref<80x128xf32, #tpu.memory_space<hbm>>) target(%dma_start3A_19 : memref<80x128xf32, #tpu.memory_space<vmem>>) target_semaphore(%dma_start3A_16 : memref<!tpu.dma_semaphore, #tpu.memory_space<semaphore_mem>>)
    %add3A_22 = arith.constant 0 : i32
    %add3A_23 = arith.addi %mul3A_7, %add3A_22 : i32
    %dma_start3A_24 = arith.constant 0 : i32
    %dma_start3A_25 = arith.constant 0 : i32
    %dma_start3A_26 = arith.constant 0 : i32
    %dma_start3A_27 = tpu.memref_slice %arg10[%dma_start3A_25, %dma_start3A_26] : memref<3x80xi32, #tpu.memory_space<vmem>> -> memref<1x80xi32, #tpu.memory_space<vmem>>
    %dma_start3A_28 = arith.constant 0 : i32
    %dma_start3A_29 = tpu.memref_slice %arg3[%add3A_23, %dma_start3A_28] : memref<4000x80xi32, #tpu.memory_space<hbm>> -> memref<1x80xi32, #tpu.memory_space<hbm>>
    %dma_start3A_30 = tpu.memref_slice %arg14[%dma_start3A_24] : memref<3x!tpu.dma_semaphore, #tpu.memory_space<semaphore_mem>> -> memref<1x!tpu.dma_semaphore, #tpu.memory_space<semaphore_mem>>
    %dma_start3A_31 = tpu.memref_squeeze %dma_start3A_30 : memref<1x!tpu.dma_semaphore, #tpu.memory_space<semaphore_mem>> -> memref<!tpu.dma_semaphore, #tpu.memory_space<semaphore_mem>>
    %dma_start3A_32 = arith.constant 0 : i32
    %dma_start3A_33 = arith.constant 0 : i32
    %dma_start3A_34 = tpu.memref_slice %arg10[%dma_start3A_32, %dma_start3A_33] : memref<3x80xi32, #tpu.memory_space<vmem>> -> memref<1x80xi32, #tpu.memory_space<vmem>>
    %dma_start3A_35 = arith.constant 0 : i32
    %dma_start3A_36 = tpu.memref_slice %arg3[%add3A_23, %dma_start3A_35] : memref<4000x80xi32, #tpu.memory_space<hbm>> -> memref<1x80xi32, #tpu.memory_space<hbm>>
    tpu.enqueue_dma source(%dma_start3A_36 : memref<1x80xi32, #tpu.memory_space<hbm>>) target(%dma_start3A_34 : memref<1x80xi32, #tpu.memory_space<vmem>>) target_semaphore(%dma_start3A_31 : memref<!tpu.dma_semaphore, #tpu.memory_space<semaphore_mem>>)
    %add3A_37 = arith.constant 80 : i32
    %add3A_38 = arith.addi %mul3A_5, %add3A_37 : i32
    %dma_start3A_39 = arith.constant 1 : i32
    %dma_start3A_40 = arith.constant 80 : i32
    %dma_start3A_41 = arith.constant 0 : i32
    %dma_start3A_42 = tpu.memref_slice %arg9[%dma_start3A_40, %dma_start3A_41] : memref<240x128xf32, #tpu.memory_space<vmem>> -> memref<80x128xf32, #tpu.memory_space<vmem>>
    %dma_start3A_43 = arith.constant 0 : i32
    %dma_start3A_44 = tpu.memref_slice %arg2[%add3A_38, %dma_start3A_43] : memref<320000x128xf32, #tpu.memory_space<hbm>> -> memref<80x128xf32, #tpu.memory_space<hbm>>
    %dma_start3A_45 = tpu.memref_slice %arg14[%dma_start3A_39] : memref<3x!tpu.dma_semaphore, #tpu.memory_space<semaphore_mem>> -> memref<1x!tpu.dma_semaphore, #tpu.memory_space<semaphore_mem>>
    %dma_start3A_46 = tpu.memref_squeeze %dma_start3A_45 : memref<1x!tpu.dma_semaphore, #tpu.memory_space<semaphore_mem>> -> memref<!tpu.dma_semaphore, #tpu.memory_space<semaphore_mem>>
    %dma_start3A_47 = arith.constant 80 : i32
    %dma_start3A_48 = arith.constant 0 : i32
    %dma_start3A_49 = tpu.memref_slice %arg9[%dma_start3A_47, %dma_start3A_48] : memref<240x128xf32, #tpu.memory_space<vmem>> -> memref<80x128xf32, #tpu.memory_space<vmem>>
    %dma_start3A_50 = arith.constant 0 : i32
    %dma_start3A_51 = tpu.memref_slice %arg2[%add3A_38, %dma_start3A_50] : memref<320000x128xf32, #tpu.memory_space<hbm>> -> memref<80x128xf32, #tpu.memory_space<hbm>>
    tpu.enqueue_dma source(%dma_start3A_51 : memref<80x128xf32, #tpu.memory_space<hbm>>) target(%dma_start3A_49 : memref<80x128xf32, #tpu.memory_space<vmem>>) target_semaphore(%dma_start3A_46 : memref<!tpu.dma_semaphore, #tpu.memory_space<semaphore_mem>>)
    %add3A_52 = arith.constant 1 : i32
    %add3A_53 = arith.addi %mul3A_7, %add3A_52 : i32
    %dma_start3A_54 = arith.constant 1 : i32
    %dma_start3A_55 = arith.constant 1 : i32
    %dma_start3A_56 = arith.constant 0 : i32
    %dma_start3A_57 = tpu.memref_slice %arg10[%dma_start3A_55, %dma_start3A_56] : memref<3x80xi32, #tpu.memory_space<vmem>> -> memref<1x80xi32, #tpu.memory_space<vmem>>
    %dma_start3A_58 = arith.constant 0 : i32
    %dma_start3A_59 = tpu.memref_slice %arg3[%add3A_53, %dma_start3A_58] : memref<4000x80xi32, #tpu.memory_space<hbm>> -> memref<1x80xi32, #tpu.memory_space<hbm>>
    %dma_start3A_60 = tpu.memref_slice %arg14[%dma_start3A_54] : memref<3x!tpu.dma_semaphore, #tpu.memory_space<semaphore_mem>> -> memref<1x!tpu.dma_semaphore, #tpu.memory_space<semaphore_mem>>
    %dma_start3A_61 = tpu.memref_squeeze %dma_start3A_60 : memref<1x!tpu.dma_semaphore, #tpu.memory_space<semaphore_mem>> -> memref<!tpu.dma_semaphore, #tpu.memory_space<semaphore_mem>>
    %dma_start3A_62 = arith.constant 1 : i32
    %dma_start3A_63 = arith.constant 0 : i32
    %dma_start3A_64 = tpu.memref_slice %arg10[%dma_start3A_62, %dma_start3A_63] : memref<3x80xi32, #tpu.memory_space<vmem>> -> memref<1x80xi32, #tpu.memory_space<vmem>>
    %dma_start3A_65 = arith.constant 0 : i32
    %dma_start3A_66 = tpu.memref_slice %arg3[%add3A_53, %dma_start3A_65] : memref<4000x80xi32, #tpu.memory_space<hbm>> -> memref<1x80xi32, #tpu.memory_space<hbm>>
    tpu.enqueue_dma source(%dma_start3A_66 : memref<1x80xi32, #tpu.memory_space<hbm>>) target(%dma_start3A_64 : memref<1x80xi32, #tpu.memory_space<vmem>>) target_semaphore(%dma_start3A_61 : memref<!tpu.dma_semaphore, #tpu.memory_space<semaphore_mem>>)
    "tpu.region"() ({
      %run_scoped3A = tpu.sem_alloc : memref<!tpu.dma_semaphore, #tpu.memory_space<semaphore_mem>>
      %dma_start3A_135 = arith.constant 0 : i32
      %dma_start3A_136 = tpu.memref_slice %arg12[%min3A_3, %dma_start3A_135] : memref<10000x128xf32, #tpu.memory_space<vmem_shared>> -> memref<632x128xf32, #tpu.memory_space<vmem_shared>>
      %dma_start3A_137 = arith.constant 0 : i32
      %dma_start3A_138 = tpu.memref_slice %arg4[%min3A_3, %dma_start3A_137] : memref<10000x128xf32, #tpu.memory_space<hbm>> -> memref<632x128xf32, #tpu.memory_space<hbm>>
      tpu.enqueue_dma source(%dma_start3A_138 : memref<632x128xf32, #tpu.memory_space<hbm>>) target(%dma_start3A_136 : memref<632x128xf32, #tpu.memory_space<vmem_shared>>) target_semaphore(%run_scoped3A : memref<!tpu.dma_semaphore, #tpu.memory_space<semaphore_mem>>)
      %dma_wait3A_139 = arith.constant 0 : i32
      %dma_wait3A_140 = tpu.memref_slice %arg12[%min3A_3, %dma_wait3A_139] : memref<10000x128xf32, #tpu.memory_space<vmem_shared>> -> memref<632x128xf32, #tpu.memory_space<vmem_shared>>
      %dma_wait3A_141 = arith.constant 0 : i32
      %dma_wait3A_142 = tpu.memref_slice %arg4[%min3A_3, %dma_wait3A_141] : memref<10000x128xf32, #tpu.memory_space<hbm>> -> memref<632x128xf32, #tpu.memory_space<hbm>>
      tpu.wait_dma2 semaphore(%run_scoped3A : memref<!tpu.dma_semaphore, #tpu.memory_space<semaphore_mem>>) src(%dma_wait3A_142 : memref<632x128xf32, #tpu.memory_space<hbm>>) dst(%dma_wait3A_140 : memref<632x128xf32, #tpu.memory_space<vmem_shared>>)
      tpu.yield
    }) : () -> ()
    "tpu.region"() ({
      %run_scoped3A = tpu.sem_alloc : memref<!tpu.dma_semaphore, #tpu.memory_space<semaphore_mem>>
      %dma_start3A_135 = arith.constant 0 : i32
      %dma_start3A_136 = tpu.memref_slice %arg13[%min3A_3, %dma_start3A_135] : memref<10000x16xf32, #tpu.memory_space<vmem_shared>> -> memref<632x16xf32, #tpu.memory_space<vmem_shared>>
      %dma_start3A_137 = arith.constant 0 : i32
      %dma_start3A_138 = tpu.memref_slice %arg5[%min3A_3, %dma_start3A_137] : memref<10000x16xf32, #tpu.memory_space<hbm>> -> memref<632x16xf32, #tpu.memory_space<hbm>>
      tpu.enqueue_dma source(%dma_start3A_138 : memref<632x16xf32, #tpu.memory_space<hbm>>) target(%dma_start3A_136 : memref<632x16xf32, #tpu.memory_space<vmem_shared>>) target_semaphore(%run_scoped3A : memref<!tpu.dma_semaphore, #tpu.memory_space<semaphore_mem>>)
      %dma_wait3A_139 = arith.constant 0 : i32
      %dma_wait3A_140 = tpu.memref_slice %arg13[%min3A_3, %dma_wait3A_139] : memref<10000x16xf32, #tpu.memory_space<vmem_shared>> -> memref<632x16xf32, #tpu.memory_space<vmem_shared>>
      %dma_wait3A_141 = arith.constant 0 : i32
      %dma_wait3A_142 = tpu.memref_slice %arg5[%min3A_3, %dma_wait3A_141] : memref<10000x16xf32, #tpu.memory_space<hbm>> -> memref<632x16xf32, #tpu.memory_space<hbm>>
      tpu.wait_dma2 semaphore(%run_scoped3A : memref<!tpu.dma_semaphore, #tpu.memory_space<semaphore_mem>>) src(%dma_wait3A_142 : memref<632x16xf32, #tpu.memory_space<hbm>>) dst(%dma_wait3A_140 : memref<632x16xf32, #tpu.memory_space<vmem_shared>>)
      tpu.yield
    }) : () -> ()
    "tpu.region"() ({
      %run_scoped3A = tpu.sem_alloc : memref<!tpu.dma_semaphore, #tpu.memory_space<semaphore_mem>>
      tpu.enqueue_dma source(%arg6 : memref<80x16xf32, #tpu.memory_space<hbm>>) target(%arg11 : memref<80x16xf32, #tpu.memory_space<vmem>>) target_semaphore(%run_scoped3A : memref<!tpu.dma_semaphore, #tpu.memory_space<semaphore_mem>>)
      tpu.wait_dma2 semaphore(%run_scoped3A : memref<!tpu.dma_semaphore, #tpu.memory_space<semaphore_mem>>) src(%arg6 : memref<80x16xf32, #tpu.memory_space<hbm>>) dst(%arg11 : memref<80x16xf32, #tpu.memory_space<vmem>>)
      tpu.yield
    }) : () -> ()
    %barrier3A = arith.constant 0 : index
    tpu.barrier barrier_id(%barrier3A)
    %scan3A = arith.constant 0 : i32
    %scan3A_67 = arith.constant 0 : i32
    %scan3A_68 = arith.constant 125 : i32
    %scan3A_69 = arith.addi %scan3A_67, %scan3A_68 : i32
    %scan3A_70 = arith.constant 1 : i32
    scf.for %scan3A_135 = %scan3A_67 to %scan3A_69 step %scan3A_70  : i32 {
      %rem3A = arith.constant 3 : i32
      %rem3A_136 = arith.remsi %scan3A_135, %rem3A : i32
      %add3A_137 = arith.constant 2 : i32
      %add3A_138 = arith.addi %scan3A_135, %add3A_137 : i32
      %rem3A_139 = arith.constant 3 : i32
      %rem3A_140 = arith.remsi %add3A_138, %rem3A_139 : i32
      %mul3A_141 = arith.constant 80 : i32
      %mul3A_142 = arith.muli %rem3A_136, %mul3A_141 : i32
      %dma_wait3A_143 = arith.constant 0 : i32
      %dma_wait3A_144 = tpu.memref_slice %arg9[%mul3A_142, %dma_wait3A_143] : memref<240x128xf32, #tpu.memory_space<vmem>> -> memref<80x128xf32, #tpu.memory_space<vmem>>
      %dma_wait3A_145 = arith.constant 0 : i32
      %dma_wait3A_146 = arith.constant 0 : i32
      %dma_wait3A_147 = tpu.memref_slice %arg2[%dma_wait3A_145, %dma_wait3A_146] : memref<320000x128xf32, #tpu.memory_space<hbm>> -> memref<80x128xf32, #tpu.memory_space<hbm>>
      %dma_wait3A_148 = tpu.memref_slice %arg14[%rem3A_136] : memref<3x!tpu.dma_semaphore, #tpu.memory_space<semaphore_mem>> -> memref<1x!tpu.dma_semaphore, #tpu.memory_space<semaphore_mem>>
      %dma_wait3A_149 = tpu.memref_squeeze %dma_wait3A_148 : memref<1x!tpu.dma_semaphore, #tpu.memory_space<semaphore_mem>> -> memref<!tpu.dma_semaphore, #tpu.memory_space<semaphore_mem>>
      %dma_wait3A_150 = arith.constant 0 : i32
      %dma_wait3A_151 = tpu.memref_slice %arg9[%mul3A_142, %dma_wait3A_150] : memref<240x128xf32, #tpu.memory_space<vmem>> -> memref<80x128xf32, #tpu.memory_space<vmem>>
      %dma_wait3A_152 = arith.constant 0 : i32
      %dma_wait3A_153 = arith.constant 0 : i32
      %dma_wait3A_154 = tpu.memref_slice %arg2[%dma_wait3A_152, %dma_wait3A_153] : memref<320000x128xf32, #tpu.memory_space<hbm>> -> memref<80x128xf32, #tpu.memory_space<hbm>>
      tpu.wait_dma2 semaphore(%dma_wait3A_149 : memref<!tpu.dma_semaphore, #tpu.memory_space<semaphore_mem>>) src(%dma_wait3A_154 : memref<80x128xf32, #tpu.memory_space<hbm>>) dst(%dma_wait3A_151 : memref<80x128xf32, #tpu.memory_space<vmem>>)
      %dma_wait3A_155 = arith.constant 0 : i32
      %dma_wait3A_156 = tpu.memref_slice %arg10[%rem3A_136, %dma_wait3A_155] : memref<3x80xi32, #tpu.memory_space<vmem>> -> memref<1x80xi32, #tpu.memory_space<vmem>>
      %dma_wait3A_157 = arith.constant 0 : i32
      %dma_wait3A_158 = arith.constant 0 : i32
      %dma_wait3A_159 = tpu.memref_slice %arg3[%dma_wait3A_157, %dma_wait3A_158] : memref<4000x80xi32, #tpu.memory_space<hbm>> -> memref<1x80xi32, #tpu.memory_space<hbm>>
      %dma_wait3A_160 = tpu.memref_slice %arg14[%rem3A_136] : memref<3x!tpu.dma_semaphore, #tpu.memory_space<semaphore_mem>> -> memref<1x!tpu.dma_semaphore, #tpu.memory_space<semaphore_mem>>
      %dma_wait3A_161 = tpu.memref_squeeze %dma_wait3A_160 : memref<1x!tpu.dma_semaphore, #tpu.memory_space<semaphore_mem>> -> memref<!tpu.dma_semaphore, #tpu.memory_space<semaphore_mem>>
      %dma_wait3A_162 = arith.constant 0 : i32
      %dma_wait3A_163 = tpu.memref_slice %arg10[%rem3A_136, %dma_wait3A_162] : memref<3x80xi32, #tpu.memory_space<vmem>> -> memref<1x80xi32, #tpu.memory_space<vmem>>
      %dma_wait3A_164 = arith.constant 0 : i32
      %dma_wait3A_165 = arith.constant 0 : i32
      %dma_wait3A_166 = tpu.memref_slice %arg3[%dma_wait3A_164, %dma_wait3A_165] : memref<4000x80xi32, #tpu.memory_space<hbm>> -> memref<1x80xi32, #tpu.memory_space<hbm>>
      tpu.wait_dma2 semaphore(%dma_wait3A_161 : memref<!tpu.dma_semaphore, #tpu.memory_space<semaphore_mem>>) src(%dma_wait3A_166 : memref<1x80xi32, #tpu.memory_space<hbm>>) dst(%dma_wait3A_163 : memref<1x80xi32, #tpu.memory_space<vmem>>)
      %ge3A = arith.constant 1 : i32
      %ge3A_167 = arith.cmpi sge, %scan3A_135, %ge3A : i32
      %convert_element_type3A = arith.extui %ge3A_167 : i1 to i32
      %cond3A = arith.constant 0 : i32
      %cond3A_168 = arith.cmpi ne, %convert_element_type3A, %cond3A : i32
      scf.if %cond3A_168 {
        %mul3A_195 = arith.constant 80 : i32
        %mul3A_196 = arith.muli %rem3A_140, %mul3A_195 : i32
        %dma_wait3A_197 = arith.constant 0 : i32
        %dma_wait3A_198 = tpu.memref_slice %arg9[%mul3A_196, %dma_wait3A_197] : memref<240x128xf32, #tpu.memory_space<vmem>> -> memref<80x128xf32, #tpu.memory_space<vmem>>
        %dma_wait3A_199 = arith.constant 0 : i32
        %dma_wait3A_200 = tpu.memref_slice %arg10[%rem3A_140, %dma_wait3A_199] : memref<3x80xi32, #tpu.memory_space<vmem>> -> memref<1x80xi32, #tpu.memory_space<vmem>>
        %dma_wait3A_201 = tpu.memref_squeeze %dma_wait3A_200 : memref<1x80xi32, #tpu.memory_space<vmem>> -> memref<80xi32, #tpu.memory_space<vmem>>
        %dma_wait3A_202 = arith.constant 0 : i32
        %dma_wait3A_203 = arith.constant 0 : i32
        %dma_wait3A_204 = tpu.memref_slice %arg12[%dma_wait3A_202, %dma_wait3A_203] : memref<10000x128xf32, #tpu.memory_space<vmem_shared>> -> memref<10000x128xf32, #tpu.memory_space<vmem_shared>>
        %dma_wait3A_205 = tpu.memref_slice %arg15[%rem3A_140] : memref<3x!tpu.dma_semaphore, #tpu.memory_space<semaphore_mem>> -> memref<1x!tpu.dma_semaphore, #tpu.memory_space<semaphore_mem>>
        %dma_wait3A_206 = tpu.memref_squeeze %dma_wait3A_205 : memref<1x!tpu.dma_semaphore, #tpu.memory_space<semaphore_mem>> -> memref<!tpu.dma_semaphore, #tpu.memory_space<semaphore_mem>>
        tpu.wait_indirect_dma semaphore(%dma_wait3A_206 : memref<!tpu.dma_semaphore, #tpu.memory_space<semaphore_mem>>) src(%dma_wait3A_198 : memref<80x128xf32, #tpu.memory_space<vmem>>) dst(%dma_wait3A_204 : memref<10000x128xf32, #tpu.memory_space<vmem_shared>>)
        %dma_wait3A_207 = arith.constant 0 : i32
        %dma_wait3A_208 = tpu.memref_slice %arg10[%rem3A_140, %dma_wait3A_207] : memref<3x80xi32, #tpu.memory_space<vmem>> -> memref<1x80xi32, #tpu.memory_space<vmem>>
        %dma_wait3A_209 = tpu.memref_squeeze %dma_wait3A_208 : memref<1x80xi32, #tpu.memory_space<vmem>> -> memref<80xi32, #tpu.memory_space<vmem>>
        %dma_wait3A_210 = arith.constant 0 : i32
        %dma_wait3A_211 = arith.constant 0 : i32
        %dma_wait3A_212 = tpu.memref_slice %arg13[%dma_wait3A_210, %dma_wait3A_211] : memref<10000x16xf32, #tpu.memory_space<vmem_shared>> -> memref<10000x16xf32, #tpu.memory_space<vmem_shared>>
        %dma_wait3A_213 = tpu.memref_slice %arg15[%rem3A_140] : memref<3x!tpu.dma_semaphore, #tpu.memory_space<semaphore_mem>> -> memref<1x!tpu.dma_semaphore, #tpu.memory_space<semaphore_mem>>
        %dma_wait3A_214 = tpu.memref_squeeze %dma_wait3A_213 : memref<1x!tpu.dma_semaphore, #tpu.memory_space<semaphore_mem>> -> memref<!tpu.dma_semaphore, #tpu.memory_space<semaphore_mem>>
        tpu.wait_indirect_dma semaphore(%dma_wait3A_214 : memref<!tpu.dma_semaphore, #tpu.memory_space<semaphore_mem>>) src(%arg11 : memref<80x16xf32, #tpu.memory_space<vmem>>) dst(%dma_wait3A_212 : memref<10000x16xf32, #tpu.memory_space<vmem_shared>>)
      } else {
      }
      %add3A_169 = arith.constant 2 : i32
      %add3A_170 = arith.addi %scan3A_135, %add3A_169 : i32
      %lt3A = arith.constant 125 : i32
      %lt3A_171 = arith.cmpi slt, %add3A_170, %lt3A : i32
      %convert_element_type3A_172 = arith.extui %lt3A_171 : i1 to i32
      %cond3A_173 = arith.constant 0 : i32
      %cond3A_174 = arith.cmpi ne, %convert_element_type3A_172, %cond3A_173 : i32
      scf.if %cond3A_174 {
        %add3A_195 = arith.constant 2 : i32
        %add3A_196 = arith.addi %scan3A_135, %add3A_195 : i32
        %mul3A_197 = arith.constant 80 : i32
        %mul3A_198 = arith.muli %add3A_196, %mul3A_197 : i32
        %add3A_199 = arith.addi %mul3A_5, %mul3A_198 : i32
        %mul3A_200 = arith.constant 80 : i32
        %mul3A_201 = arith.muli %rem3A_140, %mul3A_200 : i32
        %dma_start3A_202 = arith.constant 0 : i32
        %dma_start3A_203 = tpu.memref_slice %arg9[%mul3A_201, %dma_start3A_202] : memref<240x128xf32, #tpu.memory_space<vmem>> -> memref<80x128xf32, #tpu.memory_space<vmem>>
        %dma_start3A_204 = arith.constant 0 : i32
        %dma_start3A_205 = tpu.memref_slice %arg2[%add3A_199, %dma_start3A_204] : memref<320000x128xf32, #tpu.memory_space<hbm>> -> memref<80x128xf32, #tpu.memory_space<hbm>>
        %dma_start3A_206 = tpu.memref_slice %arg14[%rem3A_140] : memref<3x!tpu.dma_semaphore, #tpu.memory_space<semaphore_mem>> -> memref<1x!tpu.dma_semaphore, #tpu.memory_space<semaphore_mem>>
        %dma_start3A_207 = tpu.memref_squeeze %dma_start3A_206 : memref<1x!tpu.dma_semaphore, #tpu.memory_space<semaphore_mem>> -> memref<!tpu.dma_semaphore, #tpu.memory_space<semaphore_mem>>
        %dma_start3A_208 = arith.constant 0 : i32
        %dma_start3A_209 = tpu.memref_slice %arg9[%mul3A_201, %dma_start3A_208] : memref<240x128xf32, #tpu.memory_space<vmem>> -> memref<80x128xf32, #tpu.memory_space<vmem>>
        %dma_start3A_210 = arith.constant 0 : i32
        %dma_start3A_211 = tpu.memref_slice %arg2[%add3A_199, %dma_start3A_210] : memref<320000x128xf32, #tpu.memory_space<hbm>> -> memref<80x128xf32, #tpu.memory_space<hbm>>
        tpu.enqueue_dma source(%dma_start3A_211 : memref<80x128xf32, #tpu.memory_space<hbm>>) target(%dma_start3A_209 : memref<80x128xf32, #tpu.memory_space<vmem>>) target_semaphore(%dma_start3A_207 : memref<!tpu.dma_semaphore, #tpu.memory_space<semaphore_mem>>)
        %add3A_212 = arith.addi %mul3A_7, %add3A_196 : i32
        %dma_start3A_213 = arith.constant 0 : i32
        %dma_start3A_214 = tpu.memref_slice %arg10[%rem3A_140, %dma_start3A_213] : memref<3x80xi32, #tpu.memory_space<vmem>> -> memref<1x80xi32, #tpu.memory_space<vmem>>
        %dma_start3A_215 = arith.constant 0 : i32
        %dma_start3A_216 = tpu.memref_slice %arg3[%add3A_212, %dma_start3A_215] : memref<4000x80xi32, #tpu.memory_space<hbm>> -> memref<1x80xi32, #tpu.memory_space<hbm>>
        %dma_start3A_217 = tpu.memref_slice %arg14[%rem3A_140] : memref<3x!tpu.dma_semaphore, #tpu.memory_space<semaphore_mem>> -> memref<1x!tpu.dma_semaphore, #tpu.memory_space<semaphore_mem>>
        %dma_start3A_218 = tpu.memref_squeeze %dma_start3A_217 : memref<1x!tpu.dma_semaphore, #tpu.memory_space<semaphore_mem>> -> memref<!tpu.dma_semaphore, #tpu.memory_space<semaphore_mem>>
        %dma_start3A_219 = arith.constant 0 : i32
        %dma_start3A_220 = tpu.memref_slice %arg10[%rem3A_140, %dma_start3A_219] : memref<3x80xi32, #tpu.memory_space<vmem>> -> memref<1x80xi32, #tpu.memory_space<vmem>>
        %dma_start3A_221 = arith.constant 0 : i32
        %dma_start3A_222 = tpu.memref_slice %arg3[%add3A_212, %dma_start3A_221] : memref<4000x80xi32, #tpu.memory_space<hbm>> -> memref<1x80xi32, #tpu.memory_space<hbm>>
        tpu.enqueue_dma source(%dma_start3A_222 : memref<1x80xi32, #tpu.memory_space<hbm>>) target(%dma_start3A_220 : memref<1x80xi32, #tpu.memory_space<vmem>>) target_semaphore(%dma_start3A_218 : memref<!tpu.dma_semaphore, #tpu.memory_space<semaphore_mem>>)
      } else {
      }
      %mul3A_175 = arith.constant 80 : i32
      %mul3A_176 = arith.muli %rem3A_136, %mul3A_175 : i32
      %dma_start3A_177 = arith.constant 0 : i32
      %dma_start3A_178 = tpu.memref_slice %arg9[%mul3A_176, %dma_start3A_177] : memref<240x128xf32, #tpu.memory_space<vmem>> -> memref<80x128xf32, #tpu.memory_space<vmem>>
      %dma_start3A_179 = arith.constant 0 : i32
      %dma_start3A_180 = tpu.memref_slice %arg10[%rem3A_136, %dma_start3A_179] : memref<3x80xi32, #tpu.memory_space<vmem>> -> memref<1x80xi32, #tpu.memory_space<vmem>>
      %dma_start3A_181 = tpu.memref_squeeze %dma_start3A_180 : memref<1x80xi32, #tpu.memory_space<vmem>> -> memref<80xi32, #tpu.memory_space<vmem>>
      %dma_start3A_182 = arith.constant 0 : i32
      %dma_start3A_183 = arith.constant 0 : i32
      %dma_start3A_184 = tpu.memref_slice %arg12[%dma_start3A_182, %dma_start3A_183] : memref<10000x128xf32, #tpu.memory_space<vmem_shared>> -> memref<10000x128xf32, #tpu.memory_space<vmem_shared>>
      %dma_start3A_185 = tpu.memref_slice %arg15[%rem3A_136] : memref<3x!tpu.dma_semaphore, #tpu.memory_space<semaphore_mem>> -> memref<1x!tpu.dma_semaphore, #tpu.memory_space<semaphore_mem>>
      %dma_start3A_186 = tpu.memref_squeeze %dma_start3A_185 : memref<1x!tpu.dma_semaphore, #tpu.memory_space<semaphore_mem>> -> memref<!tpu.dma_semaphore, #tpu.memory_space<semaphore_mem>>
      tpu.enqueue_indirect_dma source(%dma_start3A_178 : memref<80x128xf32, #tpu.memory_space<vmem>>) target(%dma_start3A_184 : memref<10000x128xf32, #tpu.memory_space<vmem_shared>>) offsets(%dma_start3A_181 : memref<80xi32, #tpu.memory_space<vmem>>) semaphore(%dma_start3A_186 : memref<!tpu.dma_semaphore, #tpu.memory_space<semaphore_mem>>) {add = true}
      %dma_start3A_187 = arith.constant 0 : i32
      %dma_start3A_188 = tpu.memref_slice %arg10[%rem3A_136, %dma_start3A_187] : memref<3x80xi32, #tpu.memory_space<vmem>> -> memref<1x80xi32, #tpu.memory_space<vmem>>
      %dma_start3A_189 = tpu.memref_squeeze %dma_start3A_188 : memref<1x80xi32, #tpu.memory_space<vmem>> -> memref<80xi32, #tpu.memory_space<vmem>>
      %dma_start3A_190 = arith.constant 0 : i32
      %dma_start3A_191 = arith.constant 0 : i32
      %dma_start3A_192 = tpu.memref_slice %arg13[%dma_start3A_190, %dma_start3A_191] : memref<10000x16xf32, #tpu.memory_space<vmem_shared>> -> memref<10000x16xf32, #tpu.memory_space<vmem_shared>>
      %dma_start3A_193 = tpu.memref_slice %arg15[%rem3A_136] : memref<3x!tpu.dma_semaphore, #tpu.memory_space<semaphore_mem>> -> memref<1x!tpu.dma_semaphore, #tpu.memory_space<semaphore_mem>>
      %dma_start3A_194 = tpu.memref_squeeze %dma_start3A_193 : memref<1x!tpu.dma_semaphore, #tpu.memory_space<semaphore_mem>> -> memref<!tpu.dma_semaphore, #tpu.memory_space<semaphore_mem>>
      tpu.enqueue_indirect_dma source(%arg11 : memref<80x16xf32, #tpu.memory_space<vmem>>) target(%dma_start3A_192 : memref<10000x16xf32, #tpu.memory_space<vmem_shared>>) offsets(%dma_start3A_189 : memref<80xi32, #tpu.memory_space<vmem>>) semaphore(%dma_start3A_194 : memref<!tpu.dma_semaphore, #tpu.memory_space<semaphore_mem>>) {add = true}
    }
    %scan3A_71 = arith.constant 125 : i32
    %dma_wait3A = arith.constant 1 : i32
    %dma_wait3A_72 = arith.constant 1 : i32
    %dma_wait3A_73 = arith.constant 80 : i32
    %dma_wait3A_74 = arith.constant 0 : i32
    %dma_wait3A_75 = tpu.memref_slice %arg9[%dma_wait3A_73, %dma_wait3A_74] : memref<240x128xf32, #tpu.memory_space<vmem>> -> memref<80x128xf32, #tpu.memory_space<vmem>>
    %dma_wait3A_76 = arith.constant 0 : i32
    %dma_wait3A_77 = tpu.memref_slice %arg10[%dma_wait3A, %dma_wait3A_76] : memref<3x80xi32, #tpu.memory_space<vmem>> -> memref<1x80xi32, #tpu.memory_space<vmem>>
    %dma_wait3A_78 = tpu.memref_squeeze %dma_wait3A_77 : memref<1x80xi32, #tpu.memory_space<vmem>> -> memref<80xi32, #tpu.memory_space<vmem>>
    %dma_wait3A_79 = arith.constant 0 : i32
    %dma_wait3A_80 = arith.constant 0 : i32
    %dma_wait3A_81 = tpu.memref_slice %arg12[%dma_wait3A_79, %dma_wait3A_80] : memref<10000x128xf32, #tpu.memory_space<vmem_shared>> -> memref<10000x128xf32, #tpu.memory_space<vmem_shared>>
    %dma_wait3A_82 = tpu.memref_slice %arg15[%dma_wait3A_72] : memref<3x!tpu.dma_semaphore, #tpu.memory_space<semaphore_mem>> -> memref<1x!tpu.dma_semaphore, #tpu.memory_space<semaphore_mem>>
    %dma_wait3A_83 = tpu.memref_squeeze %dma_wait3A_82 : memref<1x!tpu.dma_semaphore, #tpu.memory_space<semaphore_mem>> -> memref<!tpu.dma_semaphore, #tpu.memory_space<semaphore_mem>>
    tpu.wait_indirect_dma semaphore(%dma_wait3A_83 : memref<!tpu.dma_semaphore, #tpu.memory_space<semaphore_mem>>) src(%dma_wait3A_75 : memref<80x128xf32, #tpu.memory_space<vmem>>) dst(%dma_wait3A_81 : memref<10000x128xf32, #tpu.memory_space<vmem_shared>>)
    %dma_wait3A_84 = arith.constant 1 : i32
    %dma_wait3A_85 = arith.constant 1 : i32
    %dma_wait3A_86 = arith.constant 0 : i32
    %dma_wait3A_87 = tpu.memref_slice %arg10[%dma_wait3A_84, %dma_wait3A_86] : memref<3x80xi32, #tpu.memory_space<vmem>> -> memref<1x80xi32, #tpu.memory_space<vmem>>
    %dma_wait3A_88 = tpu.memref_squeeze %dma_wait3A_87 : memref<1x80xi32, #tpu.memory_space<vmem>> -> memref<80xi32, #tpu.memory_space<vmem>>
    %dma_wait3A_89 = arith.constant 0 : i32
    %dma_wait3A_90 = arith.constant 0 : i32
    %dma_wait3A_91 = tpu.memref_slice %arg13[%dma_wait3A_89, %dma_wait3A_90] : memref<10000x16xf32, #tpu.memory_space<vmem_shared>> -> memref<10000x16xf32, #tpu.memory_space<vmem_shared>>
    %dma_wait3A_92 = tpu.memref_slice %arg15[%dma_wait3A_85] : memref<3x!tpu.dma_semaphore, #tpu.memory_space<semaphore_mem>> -> memref<1x!tpu.dma_semaphore, #tpu.memory_space<semaphore_mem>>
    %dma_wait3A_93 = tpu.memref_squeeze %dma_wait3A_92 : memref<1x!tpu.dma_semaphore, #tpu.memory_space<semaphore_mem>> -> memref<!tpu.dma_semaphore, #tpu.memory_space<semaphore_mem>>
    tpu.wait_indirect_dma semaphore(%dma_wait3A_93 : memref<!tpu.dma_semaphore, #tpu.memory_space<semaphore_mem>>) src(%arg11 : memref<80x16xf32, #tpu.memory_space<vmem>>) dst(%dma_wait3A_91 : memref<10000x16xf32, #tpu.memory_space<vmem_shared>>)
    %barrier3A_94 = arith.constant 0 : index
    tpu.barrier barrier_id(%barrier3A_94)
    %mul3A_95 = arith.constant 10000 : i32
    %mul3A_96 = arith.muli %arg0, %mul3A_95 : i32
    %add3A_97 = arith.addi %mul3A_96, %min3A_3 : i32
    %dma_start3A_98 = arith.constant 0 : i32
    %dma_start3A_99 = tpu.memref_slice %arg14[%dma_start3A_98] : memref<3x!tpu.dma_semaphore, #tpu.memory_space<semaphore_mem>> -> memref<1x!tpu.dma_semaphore, #tpu.memory_space<semaphore_mem>>
    %dma_start3A_100 = tpu.memref_squeeze %dma_start3A_99 : memref<1x!tpu.dma_semaphore, #tpu.memory_space<semaphore_mem>> -> memref<!tpu.dma_semaphore, #tpu.memory_space<semaphore_mem>>
    %dma_start3A_101 = arith.constant 0 : i32
    %dma_start3A_102 = tpu.memref_slice %arg7[%add3A_97, %dma_start3A_101] : memref<20000x128xf32, #tpu.memory_space<hbm>> -> memref<632x128xf32, #tpu.memory_space<hbm>>
    %dma_start3A_103 = arith.constant 0 : i32
    %dma_start3A_104 = tpu.memref_slice %arg12[%min3A_3, %dma_start3A_103] : memref<10000x128xf32, #tpu.memory_space<vmem_shared>> -> memref<632x128xf32, #tpu.memory_space<vmem_shared>>
    tpu.enqueue_dma source(%dma_start3A_104 : memref<632x128xf32, #tpu.memory_space<vmem_shared>>) target(%dma_start3A_102 : memref<632x128xf32, #tpu.memory_space<hbm>>) target_semaphore(%dma_start3A_100 : memref<!tpu.dma_semaphore, #tpu.memory_space<semaphore_mem>>)
    %mul3A_105 = arith.constant 10000 : i32
    %mul3A_106 = arith.muli %arg0, %mul3A_105 : i32
    %add3A_107 = arith.addi %mul3A_106, %min3A_3 : i32
    %dma_start3A_108 = arith.constant 1 : i32
    %dma_start3A_109 = tpu.memref_slice %arg14[%dma_start3A_108] : memref<3x!tpu.dma_semaphore, #tpu.memory_space<semaphore_mem>> -> memref<1x!tpu.dma_semaphore, #tpu.memory_space<semaphore_mem>>
    %dma_start3A_110 = tpu.memref_squeeze %dma_start3A_109 : memref<1x!tpu.dma_semaphore, #tpu.memory_space<semaphore_mem>> -> memref<!tpu.dma_semaphore, #tpu.memory_space<semaphore_mem>>
    %dma_start3A_111 = arith.constant 0 : i32
    %dma_start3A_112 = tpu.memref_slice %arg8[%add3A_107, %dma_start3A_111] : memref<20000x16xf32, #tpu.memory_space<hbm>> -> memref<632x16xf32, #tpu.memory_space<hbm>>
    %dma_start3A_113 = arith.constant 0 : i32
    %dma_start3A_114 = tpu.memref_slice %arg13[%min3A_3, %dma_start3A_113] : memref<10000x16xf32, #tpu.memory_space<vmem_shared>> -> memref<632x16xf32, #tpu.memory_space<vmem_shared>>
    tpu.enqueue_dma source(%dma_start3A_114 : memref<632x16xf32, #tpu.memory_space<vmem_shared>>) target(%dma_start3A_112 : memref<632x16xf32, #tpu.memory_space<hbm>>) target_semaphore(%dma_start3A_110 : memref<!tpu.dma_semaphore, #tpu.memory_space<semaphore_mem>>)
    %mul3A_115 = arith.constant 10000 : i32
    %mul3A_116 = arith.muli %arg0, %mul3A_115 : i32
    %add3A_117 = arith.addi %mul3A_116, %min3A_3 : i32
    %dma_wait3A_118 = arith.constant 0 : i32
    %dma_wait3A_119 = tpu.memref_slice %arg14[%dma_wait3A_118] : memref<3x!tpu.dma_semaphore, #tpu.memory_space<semaphore_mem>> -> memref<1x!tpu.dma_semaphore, #tpu.memory_space<semaphore_mem>>
    %dma_wait3A_120 = tpu.memref_squeeze %dma_wait3A_119 : memref<1x!tpu.dma_semaphore, #tpu.memory_space<semaphore_mem>> -> memref<!tpu.dma_semaphore, #tpu.memory_space<semaphore_mem>>
    %dma_wait3A_121 = arith.constant 0 : i32
    %dma_wait3A_122 = tpu.memref_slice %arg7[%add3A_117, %dma_wait3A_121] : memref<20000x128xf32, #tpu.memory_space<hbm>> -> memref<632x128xf32, #tpu.memory_space<hbm>>
    %dma_wait3A_123 = arith.constant 0 : i32
    %dma_wait3A_124 = tpu.memref_slice %arg12[%min3A_3, %dma_wait3A_123] : memref<10000x128xf32, #tpu.memory_space<vmem_shared>> -> memref<632x128xf32, #tpu.memory_space<vmem_shared>>
    tpu.wait_dma2 semaphore(%dma_wait3A_120 : memref<!tpu.dma_semaphore, #tpu.memory_space<semaphore_mem>>) src(%dma_wait3A_124 : memref<632x128xf32, #tpu.memory_space<vmem_shared>>) dst(%dma_wait3A_122 : memref<632x128xf32, #tpu.memory_space<hbm>>)
    %mul3A_125 = arith.constant 10000 : i32
    %mul3A_126 = arith.muli %arg0, %mul3A_125 : i32
    %add3A_127 = arith.addi %mul3A_126, %min3A_3 : i32
    %dma_wait3A_128 = arith.constant 1 : i32
    %dma_wait3A_129 = tpu.memref_slice %arg14[%dma_wait3A_128] : memref<3x!tpu.dma_semaphore, #tpu.memory_space<semaphore_mem>> -> memref<1x!tpu.dma_semaphore, #tpu.memory_space<semaphore_mem>>
    %dma_wait3A_130 = tpu.memref_squeeze %dma_wait3A_129 : memref<1x!tpu.dma_semaphore, #tpu.memory_space<semaphore_mem>> -> memref<!tpu.dma_semaphore, #tpu.memory_space<semaphore_mem>>
    %dma_wait3A_131 = arith.constant 0 : i32
    %dma_wait3A_132 = tpu.memref_slice %arg8[%add3A_127, %dma_wait3A_131] : memref<20000x16xf32, #tpu.memory_space<hbm>> -> memref<632x16xf32, #tpu.memory_space<hbm>>
    %dma_wait3A_133 = arith.constant 0 : i32
    %dma_wait3A_134 = tpu.memref_slice %arg13[%min3A_3, %dma_wait3A_133] : memref<10000x16xf32, #tpu.memory_space<vmem_shared>> -> memref<632x16xf32, #tpu.memory_space<vmem_shared>>
    tpu.wait_dma2 semaphore(%dma_wait3A_130 : memref<!tpu.dma_semaphore, #tpu.memory_space<semaphore_mem>>) src(%dma_wait3A_134 : memref<632x16xf32, #tpu.memory_space<vmem_shared>>) dst(%dma_wait3A_132 : memref<632x16xf32, #tpu.memory_space<hbm>>)
    return
  }
}

module attributes {stable_mosaic.version = 14 : i64} {
  func.func @_combine_body(%arg0: i32, %arg1: memref<2x1000x128xf32, #tpu.memory_space<vmem>>, %arg2: memref<2x1000x16xf32, #tpu.memory_space<vmem>>, %arg3: memref<1000x128xf32, #tpu.memory_space<vmem>>) attributes {dimension_semantics = [#tpu.dimension_semantics<arbitrary>], iteration_bounds = array<i64: 10>, scalar_prefetch = 0 : i64, scratch_operands = 0 : i64, tpu.core_type = #tpu.core_type<tc>, window_params = [{transform_indices = @transform_0, window_bounds = array<i64: 2, 1000, 128>}, {transform_indices = @transform_1, window_bounds = array<i64: 2, 1000, 16>}, {transform_indices = @transform_2, window_bounds = array<i64: 1000, 128>}]} {
    %get3A = arith.constant 0 : index
    %get3A_0 = arith.constant 0 : index
    %get3A_1 = arith.constant 0 : index
    %get3A_2 = vector.load %arg1[%get3A, %get3A_0, %get3A_1] : memref<2x1000x128xf32, #tpu.memory_space<vmem>>, vector<1x1000x128xf32>
    %get3A_3 = vector.shape_cast %get3A_2 : vector<1x1000x128xf32> to vector<1000x128xf32>
    %get3A_4 = arith.constant 1 : index
    %get3A_5 = arith.constant 0 : index
    %get3A_6 = arith.constant 0 : index
    %get3A_7 = vector.load %arg1[%get3A_4, %get3A_5, %get3A_6] : memref<2x1000x128xf32, #tpu.memory_space<vmem>>, vector<1x1000x128xf32>
    %get3A_8 = vector.shape_cast %get3A_7 : vector<1x1000x128xf32> to vector<1000x128xf32>
    %add3A = arith.addf %get3A_3, %get3A_8 : vector<1000x128xf32>
    %get3A_9 = arith.constant 0 : index
    %get3A_10 = arith.constant 0 : index
    %get3A_11 = arith.constant 0 : index
    %get3A_12 = vector.load %arg2[%get3A_9, %get3A_10, %get3A_11] : memref<2x1000x16xf32, #tpu.memory_space<vmem>>, vector<1x1000x1xf32>
    %get3A_13 = vector.shape_cast %get3A_12 : vector<1x1000x1xf32> to vector<1000x1xf32>
    %get3A_14 = arith.constant 1 : index
    %get3A_15 = arith.constant 0 : index
    %get3A_16 = arith.constant 0 : index
    %get3A_17 = vector.load %arg2[%get3A_14, %get3A_15, %get3A_16] : memref<2x1000x16xf32, #tpu.memory_space<vmem>>, vector<1x1000x1xf32>
    %get3A_18 = vector.shape_cast %get3A_17 : vector<1x1000x1xf32> to vector<1000x1xf32>
    %add3A_19 = arith.addf %get3A_13, %get3A_18 : vector<1000x1xf32>
    %add3A_20 = arith.constant 9.99999993E-9 : f32
    %add3A_21 = vector.broadcast %add3A_20 : f32 to vector<1000x1xf32>
    %add3A_22 = arith.addf %add3A_19, %add3A_21 : vector<1000x1xf32>
    %div3A = vector.broadcast %add3A_22 : vector<1000x1xf32> to vector<1000x128xf32>
    %div3A_23 = arith.divf %add3A, %div3A : vector<1000x128xf32>
    %swap3A = arith.constant 0 : index
    %swap3A_24 = arith.constant 0 : index
    %swap3A_25 = vector.load %arg3[%swap3A, %swap3A_24] : memref<1000x128xf32, #tpu.memory_space<vmem>>, vector<1000x128xf32>
    tpu.vector_store %arg3[%swap3A, %swap3A_24], %div3A_23 {strides = array<i32>} : memref<1000x128xf32, #tpu.memory_space<vmem>>, vector<1000x128xf32>,
    return
  }
  func.func @transform_0(%arg0: i32) -> (i32, i32, i32) {
    %c0_i32 = arith.constant 0 : i32
    %c0_i32_0 = arith.constant 0 : i32
    %c0_i32_1 = arith.constant 0 : i32
    return %c0_i32, %arg0, %c0_i32_0 : i32, i32, i32
  }
  func.func @transform_1(%arg0: i32) -> (i32, i32, i32) {
    %c0_i32 = arith.constant 0 : i32
    %c0_i32_0 = arith.constant 0 : i32
    %c0_i32_1 = arith.constant 0 : i32
    return %c0_i32, %arg0, %c0_i32_0 : i32, i32, i32
  }
  func.func @transform_2(%arg0: i32) -> (i32, i32) {
    %c0_i32 = arith.constant 0 : i32
    %c0_i32_0 = arith.constant 0 : i32
    return %arg0, %c0_i32 : i32, i32
  }
}

</mosaic_0001>

<sc_bundles>
// kernel: kernel.4.cloned.1.call-start
scs
__scs_entry_jumppad:
0x0: {  	(pc) =	sbr.rel $0x88, $3  }
0x1: {  	(tag) =	ssettag $0x0;
	lr =	simm.s32 $0x1  }
0x2: {  	[smem:$0x3F9F] =	sst lr;
	_ =	strace $0xD0000000  }
0x3: {  	_ = 	snop  }
0x4: {  	_ = 	snop  }
0x5: {  	_ = 	snop  }
0x6: {  	_ = 	snop  }
0x7: {  	_ = 	snop  }
__scs_overlays_trampoline_lowered:
0x8: {  	[smem:$0x3FAE] =	sst s0  }
0x9: {  	[smem:$0x3FAF] =	sst s1  }
0xa: {  	[smem:$0x3FB0] =	sst s2  }
0xb: {  	[smem:$0x3FB1] =	sst s3  }
0xc: {  	[smem:$0x3FB2] =	sst s4  }
0xd: {  	[smem:$0x3FB3] =	sst s5  }
0xe: {  	[smem:$0x3FB4] =	sst s6  }
0xf: {  	[smem:$0x3FB5] =	sst s7  }
0x10: {  	[smem:$0x3FB6] =	sst s8  }
0x11: {  	[smem:$0x3FB7] =	sst s9;
	s0 =	simm.s32 @!p0 $0x0  }
0x12: {  	s1 =	sld [smem:$0x3F9D];
	s0 =	simm.s32 @p0 $0x1  }
0x13: {  	[smem:$0x3FB8] =	sst s0;
	s0 =	simm.s32 @!p1 $0x0  }
0x14: {  	s2 =	sld [smem:$0x3F9C];
	s0 =	simm.s32 @p1 $0x1  }
0x15: {  	[smem:$0x3FB9] =	sst s0;
	s0 =	simm.s32 @!p2 $0x0  }
0x16: {  	s3 =	sld [smem:$0x3FDB];
	s0 =	simm.s32 @p2 $0x1  }
0x17: {  	s4 =	simm.s32 $0x1BF5;
	[smem:$0x3FBB] =	sst s0  }
0x18: {  	s0 =	sld [smem:$0x3F9E];
	_ =	swait.ge [sflag:s4], $0x0  }
0x19: {  	s7 =	sld [smem:$0x3F9F]  }
0x1a: {  	s8 =	sadd.s32 $0xFFFFE003, lr  }
0x1b: {  	s9 =	sadd.s32 $0xFFFFFEF7, lr;
	s5 =	simm.s32 $0xFFFFFFFF;
	p2 =	slt.u32 s8, $0xFFFFF086  }
0x1c: {  	p1 =	slt.u32 s9, $0xF7A;
	s5 =	simm.s32 @!p2 $0x0  }
0x1d: {  	s5 =	simm.s32 @p1 $0x1;
	p0 =	seq.s32 s7, s2  }
0x1e: {  	s7 =	smul.u32 @!p0 $0xF7A, s2;
	p2 =	seq.s32 @!p0 s5, $0x0  }
0x1f: {  	s9 =	smul.u32 $0xF7A, s1;
	s8 =	simm.s32 @!p0 $0x1BF5;
	p2 =	por !p2, p0  }
0x20: {  	[sflag:s8] =	ssyncset.s32 @!p0 $0xFFFFF086;
	s6 =	sadd.s32 @!p0 s3, s7;
	s7 =	simm.s32 @!p0 $0x108  }
0x21: {  	s3 =	sadd.s32 s3, s9;
	s6 =	sadd.s32 @!p0 $0x88, s6;
	s7 =	simm.s32 @p2 $0x1082  }
0x22: {  	[simem:s7], [sflag:s8] =	dma.local @!p0 [hbm:s6], $0xF7A  }
0x23: {  	s9 =	sor.u32 $0xD0000000, s2;
	s6 =	simm.s32 $0x108;
	_ =	swait.ge @!p0 [sflag:s8], $0x0  }
0x24: {  	s3 =	sadd.s32 $0x88, s3;
	s6 =	simm.s32 @!p1 $0x1082;
	[sflag:s4] =	ssyncset.s32 $0xFFFFF086  }
0x25: {  	[simem:s6], [sflag:s4] =	dma.local [hbm:s3], $0xF7A  }
0x26: {  	[smem:$0x3F9F] =	sst s1;
	(tag) =	ssettag s2;
	_ =	strace s9  }
0x27: {  	s1 =	sld [smem:$0x3FAF]  }
0x28: {  	s2 =	sld [smem:$0x3FB0]  }
0x29: {  	s4 =	sld [smem:$0x3FB2]  }
0x2a: {  	p0 =	seq.s32 s5, $0x0;
	s5 =	sld [smem:$0x3FB3]  }
0x2b: {  	s6 =	sld [smem:$0x3FB4]  }
0x2c: {  	s7 =	sld [smem:$0x3FB5]  }
0x2d: {  	s3 =	simm.s32 $0x108;
	s8 =	sld [smem:$0x3FB6]  }
0x2e: {  	s3 =	simm.s32 @!p0 $0x1082;
	s9 =	sld [smem:$0x3FB7]  }
0x2f: {  	lr =	sadd.s32 s0, s3;
	s0 =	sld [smem:$0x3FAE]  }
0x30: {  	s3 =	sld [smem:$0x3FB1]  }
0x31: {  	[smem:$0x3FBA] =	sst s10  }
0x32: {  	s10 =	sld [smem:$0x3FB8];
	_ =	sdelay $0x3  }
0x33: {  	p0 =	seq.s32 s10, $0x1;
	s10 =	sld [smem:$0x3FBA];
	_ =	sdelay $0x3  }
0x34: {  	[smem:$0x3FBA] =	sst s10  }
0x35: {  	s10 =	sld [smem:$0x3FB9];
	_ =	sdelay $0x3  }
0x36: {  	p1 =	seq.s32 s10, $0x1;
	s10 =	sld [smem:$0x3FBA];
	_ =	sdelay $0x3  }
0x37: {  	[smem:$0x3FBA] =	sst s10  }
0x38: {  	s10 =	sld [smem:$0x3FBB]  }
0x39: {  	_ = 	snop;
	(pc) =	sbr.ind lr, $3  }
0x3a: {  	_ = 	snop  }
0x3b: {  	_ = 	snop  }
0x3c: {  	p2 =	seq.s32 s10, $0x1;
	s10 =	sld [smem:$0x3FBA]  }
0x3d: {  	_ =	shalt  }
0x3e: {  	_ =	shalt  }
0x3f: {  	_ =	shalt  }
0x40: {  	_ =	shalt  }
0x41: {  	_ =	shalt  }
0x42: {  	_ =	shalt  }
0x43: {  	_ =	shalt  }
0x44: {  	_ =	shalt  }
0x45: {  	_ =	shalt  }
0x46: {  	_ =	shalt  }
0x47: {  	_ =	shalt  }
0x48: {  	_ =	shalt  }
0x49: {  	_ =	shalt  }
0x4a: {  	_ =	shalt  }
0x4b: {  	_ =	shalt  }
0x4c: {  	_ =	shalt  }
0x4d: {  	_ =	shalt  }
0x4e: {  	_ =	shalt  }
0x4f: {  	_ =	shalt  }
0x50: {  	_ =	shalt  }
0x51: {  	_ =	shalt  }
0x52: {  	_ =	shalt  }
0x53: {  	_ =	shalt  }
0x54: {  	_ =	shalt  }
0x55: {  	_ =	shalt  }
0x56: {  	_ =	shalt  }
0x57: {  	_ =	shalt  }
0x58: {  	_ =	shalt  }
0x59: {  	_ =	shalt  }
0x5a: {  	_ =	shalt  }
0x5b: {  	_ =	shalt  }
0x5c: {  	_ =	shalt  }
0x5d: {  	_ =	shalt  }
0x5e: {  	_ =	shalt  }
0x5f: {  	_ =	shalt  }
0x60: {  	_ =	shalt  }
0x61: {  	_ =	shalt  }
0x62: {  	_ =	shalt  }
0x63: {  	_ =	shalt  }
0x64: {  	_ =	shalt  }
0x65: {  	_ =	shalt  }
0x66: {  	_ =	shalt  }
0x67: {  	_ =	shalt  }
0x68: {  	_ =	shalt  }
0x69: {  	_ =	shalt  }
0x6a: {  	_ =	shalt  }
0x6b: {  	_ =	shalt  }
0x6c: {  	_ =	shalt  }
0x6d: {  	_ =	shalt  }
0x6e: {  	_ =	shalt  }
0x6f: {  	_ =	shalt  }
0x70: {  	_ =	shalt  }
0x71: {  	_ =	shalt  }
0x72: {  	_ =	shalt  }
0x73: {  	_ =	shalt  }
0x74: {  	_ =	shalt  }
0x75: {  	_ =	shalt  }
0x76: {  	_ =	shalt  }
0x77: {  	_ =	shalt  }
0x78: {  	_ =	shalt  }
0x79: {  	_ =	shalt  }
0x7a: {  	_ =	shalt  }
0x7b: {  	_ =	shalt  }
0x7c: {  	_ =	shalt  }
0x7d: {  	_ =	shalt  }
0x7e: {  	_ =	shalt  }
0x7f: {  	_ =	shalt  }
0x80: {  	_ =	shalt  }
0x81: {  	_ =	shalt  }
0x82: {  	_ =	shalt  }
0x83: {  	_ =	shalt  }
0x84: {  	_ =	shalt  }
0x85: {  	_ =	shalt  }
0x86: {  	_ =	shalt  }
0x87: {  	_ =	shalt  }
.Lfunc_end0:
.L_simem_size_0:
called_computation_lowered:
.L_overlay_start_0:
0x88: {  	s2 =	sld [smem:$0x3FD9]  }
0x89: {  	s3 =	sld [smem:$0x3FFE];
	_ =	sdelay $0x1  }
0x8a: {  	s1 =	srdreg.scid  }
0x8b: {  	s0 =	sand.u32 $0x1, s1  }
0x8c: {  	s17 =	sshll.u32 s0, $0xA;
	s2 =	sadd.s32 s3, s2  }
0x8d: {  	s2 =	sadd.s32 s2, s17  }
0x8e: {  	[smem:$0x3FC6] =	sst s2  }
0x8f: {  	_ = 	snop  }
0x90: {  	s2 =	sld [smem:$0x3FC9]  }
0x91: {  	s18 =	sld [smem:$0x3FC8]  }
0x92: {  	s4 =	sld [smem:$0x3FD0];
	(tm) =	ssettm $0x1  }
0x93: {  	s5 =	sld [smem:$0x3FFB];
	_ =	sdelay $0x3  }
0x94: {  	_ =	strace s5  }
0x95: {  	s5 =	sld [smem:$0x3FFC];
	_ =	sdelay $0x3  }
0x96: {  	_ =	strace s5  }
0x97: {  	s5 =	sld [smem:$0x3FFD];
	_ =	sdelay $0x3  }
0x98: {  	_ =	strace s5  }
0x99: {  	_ =	strace $0x8FFFFFFF  }
0x9a: {  	s19 =	sld [smem:$0x3FDB];
	_ =	sdelay $0x1  }
0x9b: {  	s6 =	simm.s32 $_scs_section_size  }
0x9c: {  	s7 =	simm.s32 $_size__tile_overlayer_lowered;
	s8 =	simm.s32 $_tile_overlayer_lowered  }
0x9d: {  	s22 =	simm.s32 $0x1BFF;
	s21 =	sshll.u32 s8, $0x1;
	s5 =	sadd.s32 s6, s19  }
0x9e: {  	s9 =	simm.s32 $0x0;
	s20 =	sshll.u32 s7, $0x1;
	s7 =	sadd.s32 s21, s5  }
0x9f: {  	[timem:s9], [sflag:s22] =	dma.local [hbm:s7], s20  }
0xa0: {  	_ =	swait.ge [sflag:s22], s20  }
0xa1: {  	s6 =	ssub.s32 $0x0, s20;
	[sflag:s22] =	ssyncset.done $0x0  }
0xa2: {  	[sflag:s22] =	ssyncadd.s32 s6;
	_ =	sdelay $0x1  }
0xa3: {  	s23 =	simm.s32 $0x1B8B  }
0xa4: {  	_ =	swait.ge [sflag:s23], $0x1  }
0xa5: {  	[sflag:s23] =	ssyncset.done $0x0  }
0xa6: {  	s25 =	simm.s32 $0x1B8E;
	s24 =	sld [smem:$0x3FFE];
	[sflag:s23] =	ssyncadd.s32 $0xFFFFFFFF  }
0xa7: {  	s26 =	simm.s32 $execute0_lowered;
	[smem:$0x3FD2] =	sst s25  }
0xa8: {  	s7 =	sshll.u32 s26, $0x1;
	_ =	strace $0x80000046;
	[dreg:$0x1] =	wrdreg $0xFFFFFFFF  }
0xa9: {  	s28 =	simm.s32 $_size_execute0_lowered;
	s5 =	sadd.s32 s5, s7;
	[dreg:$0x0] =	wrdreg $0x0  }
0xaa: {  	s7 =	sshll.u32 s28, $0x1;
	[dreg:$0x2] =	wrdreg s5  }
0xab: {  	[dreg:$0x3] =	wrdreg s7  }
0xac: {  	[dreg:$0x4] =	wrdreg $0xC0  }
0xad: {  	_ =	task [dreg:s9], $0x5FFFF  }
0xae: {  	[dreg:$0x1] =	wrdreg $0xFFFFFFFF  }
0xaf: {  	[dreg:$0x0] =	wrdreg $0x60  }
0xb0: {  	[dreg:$0x2] =	wrdreg s2  }
0xb1: {  	[dreg:$0x3] =	wrdreg s18  }
0xb2: {  	[dreg:$0x4] =	wrdreg s4  }
0xb3: {  	[dreg:$0x5] =	wrdreg s24  }
0xb4: {  	[dreg:$0x6] =	wrdreg $0x7DF00  }
0xb5: {  	[dreg:$0x7] =	wrdreg $0x1B6700  }
0xb6: {  	[dreg:$0x8] =	wrdreg $0x9  }
0xb7: {  	_ =	task.clear_ibuf [dreg:s9], $0x9FFFF;
	_ =	strace $0x90000046  }
0xb8: {  	s29 =	simm.s32 $0x9;
	_ =	strace $0x80000048  }
0xb9: {  	_ =	swait.ge [sflag:s29], $0x1  }
0xba: {  	[sflag:s29] =	ssyncadd.s32 $0xFFFFFFFF  }
0xbb: {  	_ =	strace $0x90000048  }
0xbc: {  	_ =	sfence  }
0xbd: {  	s30 =	sld [smem:$0x0];
	_ =	sdelay $0x2  }
0xbe: {  	s31 =	sshll.u32 s1, $0xD;
	s1 =	sshrl.u32 s1, $0x2  }
0xbf: {  	s3 =	sand.u32 $0x4000, s31;
	s1 =	sadd.s32 s1, s30  }
0xc0: {  	s0 =	sor.u32 s3, s0;
	s1 =	sshll.u32 s1, $0x11  }
0xc1: {  	s0 =	sor.u32 s1, s0  }
0xc2: {  	s0 =	sadd.s32 $0x8F2B, s0  }
0xc3: {  	[sflag:s0] =	ssyncadd.remote.s32 $0x1  }
0xc4: {  	_ =	sfence.sel $0xFFFF  }
0xc5: {  	[dreg:$0x0] =	wrdreg $0xFFFFFFFF;
	(pc) =	sbr.abs _section_cstart, $3  }
0xc6: {  	[dreg:$0x1] =	wrdreg $0xFFFFFFFF  }
0xc7: {  	_ =	task.clear_ibuf [dreg:s9], $0x2FFFF;
	_ =	strace $0x9FFFFFFF  }
0xc8: {  	(tm) =	ssettm $0x7FFFFFFF  }
0xc9: {  	_ =	shalt  }
tec
execute0_lowered:
.L_overlay_start_1:
0x0: {  	(tag) =	ssettag $0x1  }
0x1: {  	s0 =	rddreg [dreg:$0x0]  }
0x2: {  	s1 =	rddreg [dreg:$0x1]  }
0x3: {  	s5 =	rddreg [dreg:$0x2]  }
0x4: {  	s6 =	rddreg [dreg:$0x3]  }
0x5: {  	s2 =	rddreg [dreg:$0x4]  }
0x6: {  	s3 =	rddreg [dreg:$0x5];
	s21 =	stileid.u32  }
0x7: {  	s4 =	simm.s32 $0x0;
	s8 =	srdreg.scid;
	s28 =	simm.s32 $0x5  }
0x8: {  	s29 =	simm.s32 $0x1;
	s30 =	simm.s32 $0x2;
	s16 =	sand.u32 $0x1, s8  }
0x9: {  	s31 =	simm.s32 $0x0;
	s7 =	smul.u32 $0x278, s21;
	s8 =	sshll.u32 s16, $0x4  }
0xa: {  	[smem:$0x7FF] =	sst s4;
	s25 =	smul.u32 $0x2710, s16;
	s8 =	sor.u32 s21, s8  }
0xb: {  	s10 =	sadd.s32 $0xA00, s6;
	_ =	strace $0x80000047;
	s26 =	smul.u32 $0x2710, s8  }
0xc: {  	[dreg:$0x7] =	wrdreg s10;
	s18 =	ssub.s32 $0x2, s16;
	s12 =	smul.u32 $0x27100, s8  }
0xd: {  	s11 =	smin.u32 s7, $0x2498;
	s14 =	sshrl.u32 s18, $0x1;
	s13 =	smul.u32 $0x4E2, s8  }
0xe: {  	s9 =	sshll.u32 s11, $0x1;
	s7 =	sadd.s32 s25, s11;
	s8 =	smul.u32 $0x138800, s8  }
0xf: {  	s18 =	ssub.s32 s18, s14;
	s22 =	sshll.u32 s11, $0x7;
	s24 =	sshll.u32 s11, $0x4  }
0x10: {  	s11 =	sshll.u32 s21, $0x6;
	s25 =	smul.u32 $0x2710, s21;
	s15 =	sadd.s32 s9, s6  }
0x11: {  	s17 =	sshll.u32 s7, $0x4;
	s7 =	sshll.u32 s7, $0x1;
	s10 =	sadd.s32 s22, s2  }
0x12: {  	s14 =	sadd.s32 s24, s3;
	s18 =	smax.u32 s18, $0x1;
	s17 =	sadd.s32 s17, s6  }
0x13: {  	s6 =	sadd.s32 s7, s6;
	s19 =	sadd.s32 s0, s12;
	s20 =	sadd.s32 s1, s13  }
0x14: {  	s8 =	sshrl.u32 s8, $0x3;
	s9 =	sshrl.u32 s26, $0x3;
	s12 =	sadd.s32 s5, s24  }
0x15: {  	s13 =	sor.u32 $0x1C07, s11;
	s15 =	sadd.s32 $0xC00, s15;
	[dreg:$0x8] =	wrdreg s19  }
0x16: {  	s26 =	smul.u32 $0x4E2, s21;
	s24 =	simm.s32 $0x7;
	[dreg:$0x9] =	wrdreg s20  }
0x17: {  	s8 =	sadd.s32 s0, s8;
	s9 =	sadd.s32 s1, s9;
	s19 =	smul.u32 $0x27100, s16  }
0x18: {  	s20 =	smul.u32 $0x4E20, s16;
	s16 =	sadd.s32 $0xFA00, s17;
	s17 =	sadd.s32 $0x5C00, s6  }
0x19: {  	s23 =	sadd.s32 $0x500, s8;
	s9 =	sadd.s32 $0xA, s9;
	s5 =	sadd.s32 s25, s19  }
0x1a: {  	[dreg:$0xa] =	wrdreg s23;
	s1 =	sadd.s32 s20, s1;
	s5 =	sshll.u32 s5, $0x4  }
0x1b: {  	s25 =	simm.s32 $0x78F0;
	s1 =	sadd.s32 s26, s1;
	s0 =	sadd.s32 s0, s5  }
0x1c: {  	s26 =	simm.s32 $0x50;
	s21 =	sadd.s32 $0x14, s1;
	s22 =	sadd.s32 $0xA00, s0  }
.LBB2_1:
0x1d: {  	s0 =	rddreg [dreg:$0x8]  }
0x1e: {  	[tilespmem:s4], [sflag:$0x1] =	stream.linear.gather [hbm4b:s0+s4], $0x2800, $0x38;
	[tilespmem:$0x1DD80] =	vst v63  }
0x1f: {  	s8 =	rddreg [dreg:$0x9];
	s1 =	simm.s32 $0x7800  }
0x20: {  	[tilespmem:s1], [sflag:$0x1] =	stream.linear.gather [hbm4b:s8+s4], $0x50, $0x38;
	[tilespmem:$0x1DD80] =	vst v63  }
0x21: {  	s19 =	rddreg [dreg:$0xa];
	s20 =	simm.s32 $0x2800  }
0x22: {  	[tilespmem:s20], [sflag:$0x2] =	stream.linear.gather [hbm4b:s19+s4], $0x2800, $0x38;
	[tilespmem:$0x1DD80] =	vst v63  }
0x23: {  	s23 =	simm.s32 $0x7850;
	s0 =	sshrl.u32 s10, $0x3  }
0x24: {  	[tilespmem:s23], [sflag:$0x2] =	stream.linear.gather [hbm4b:s9+s4], $0x50, $0x38;
	[tilespmem:$0x1DD80] =	vst v63  }
0x25: {  	[spmem:s0], [sflag:s13] =	dma.local [hbm:s12], $0x2780  }
0x26: {  	_ =	swait.ge [sflag:s24], $0x2780  }
0x27: {  	[sflag:s24] =	ssyncset.done $0x0  }
0x28: {  	s1 =	sshrl.u32 s14, $0x3;
	[sflag:s24] =	ssyncadd.s32 $0xFFFFD880  }
0x29: {  	[spmem:s1], [sflag:s13] =	dma.local [hbm:s15], $0x4F0  }
0x2a: {  	_ =	swait.ge [sflag:s24], $0x4F0  }
0x2b: {  	[sflag:s24] =	ssyncset.done $0x0  }
0x2c: {  	s5 =	rddreg [dreg:$0x7];
	[sflag:s24] =	ssyncadd.s32 $0xFFFFFB10  }
0x2d: {  	[tilespmem:s25], [sflag:$0x7] =	stream.linear.gather [hbm4b:s5+s4], $0x500, $0x38;
	[tilespmem:$0x1DD80] =	vst v63  }
0x2e: {  	_ =	swait.ge [sflag:s24], $0x500  }
0x2f: {  	[sflag:s24] =	ssyncset.done $0x0  }
0x30: {  	s20 =	smov.u32 s21;
	[sflag:s24] =	ssyncadd.s32 $0xFFFFFB00  }
0x31: {  	s19 =	smov.u32 s22;
	s23 =	simm.s32 $0x0;
	[bflag:$0x0] =	sbarrier.arrive $0xFFFF  }
.LBB2_2:
0x32: {  	s5 =	smul.u32 $0xAB, s23;
	_ =	sdelay $0x1  }
0x33: {  	s6 =	sshrl.u32 s5, $0x9  }
0x34: {  	s6 =	sand.u32 $0x7F, s6  }
0x35: {  	s6 =	smul.u32 $0x3, s6;
	_ =	sdelay $0x1  }
0x36: {  	s7 =	sadd.s32 $0x156, s5;
	s6 =	ssub.s32 s23, s6  }
0x37: {  	s7 =	sshrl.u32 s7, $0x9;
	s5 =	sand.u32 $0xFF, s6  }
0x38: {  	s6 =	sand.u32 $0x7F, s7;
	s8 =	sadd.s32 $0x1, s5  }
0x39: {  	s6 =	smul.u32 $0x3, s6;
	_ =	swait.ge [sflag:s8], $0x2800  }
0x3a: {  	[sflag:s8] =	ssyncset.done $0x0  }
0x3b: {  	s6 =	ssub.s32 s23, s6;
	[sflag:s8] =	ssyncadd.s32 $0xFFFFD800  }
0x3c: {  	s6 =	sadd.s32 $0x2, s6;
	_ =	swait.ge [sflag:s8], $0x50  }
0x3d: {  	p0 =	seq.s32 s23, $0x0;
	s6 =	sand.u32 $0xFF, s6;
	[sflag:s8] =	ssyncset.done $0x0  }
0x3e: {  	s7 =	sadd.s32 @!p0 $0x4, s6;
	[sflag:s8] =	ssyncadd.s32 $0xFFFFFFB0  }
0x3f: {  	_ =	swait.ge @!p0 [sflag:s7], $0x2800  }
0x40: {  	[sflag:s7] =	ssyncset.done @!p0 $0x0  }
0x41: {  	[sflag:s7] =	ssyncadd.s32 @!p0 $0xFFFFD800  }
0x42: {  	p1 =	sgt.u32 @!p0 s23, $0x7A;
	_ =	swait.ge @!p0 [sflag:s7], $0x500  }
0x43: {  	p1 =	por p0, !p1;
	[sflag:s7] =	ssyncset.done @!p0 $0x0  }
0x44: {  	[sflag:s7] =	ssyncadd.s32 @!p0 $0xFFFFFB00;
	s7 =	smul.u32 @p1 $0xA000, s6  }
0x45: {  	s8 =	sadd.s32 @p1 $0x1, s6;
	s6 =	smul.u32 @p1 $0x140, s6;
	_ =	sdelay $0x1  }
0x46: {  	s7 =	sshrl.u32 @p1 s7, $0x2;
	s6 =	sshrl.u32 @p1 s6, $0x2  }
0x47: {  	[tilespmem:s7], [sflag:s8] =	stream.linear.gather @p1 [hbm4b:s19+s4], $0x2800, $0x38;
	[tilespmem:$0x1DD80] =	vst v63  }
0x48: {  	s23 =	sadd.s32 $0x1, s23;
	s6 =	sadd.s32 @p1 $0x7800, s6;
	s7 =	smul.u32 $0x140, s5  }
0x49: {  	[tilespmem:s6], [sflag:s8] =	stream.linear.gather @p1 [hbm4b:s20+s4], $0x50, $0x38;
	[tilespmem:$0x1DD80] =	vst v63  }
0x4a: {  	p0 =	sne.s32 s23, $0x7D;
	s8 =	smul.u32 $0xA000, s5  }
.Ltmp0:
0x4b: {  	s6 =	sshrl.u32 s7, $0x2;
	(pc) =	sbr.rel @p0 .LBB2_2-.Ltmp0, $4  }
0x4c: {  	s5 =	sadd.s32 $0x4, s5;
	s6 =	sor.u32 $0x7800, s6;
	s7 =	sshrl.u32 s8, $0x2  }
0x4d: {  	[spmem:s2] =	stream.indirect.scatter.add.f32 [tilespmem:s7], [sflag:s5], $0x80, s6, s26, $0xb8;
	[tilespmem:$0x1DD80] =	vst v63  }
0x4e: {  	s19 =	sadd.s32 $0x500, s19;
	s20 =	sadd.s32 $0xA, s20  }
0x4f: {  	[spmem:s3] =	stream.indirect.scatter.add.f32 [tilespmem:s25], [sflag:s5], $0x10, s6, s26, $0xb8;
	[tilespmem:$0x1DD80] =	vst v63  }
0x50: {  	_ =	swait.ge [sflag:s28], $0x2800  }
0x51: {  	[sflag:s28] =	ssyncset.done $0x0  }
0x52: {  	[sflag:s28] =	ssyncadd.s32 $0xFFFFD800  }
0x53: {  	_ =	swait.ge [sflag:s28], $0x500  }
0x54: {  	[sflag:s28] =	ssyncset.done $0x0  }
0x55: {  	s5 =	sor.u32 $0x1C01, s11;
	[sflag:s28] =	ssyncadd.s32 $0xFFFFFB00  }
0x56: {  	s23 =	sor.u32 $0x1C02, s11;
	s31 =	sadd.s32 $0x1, s31;
	[bflag:$0x0] =	sbarrier.arrive $0xFFFF  }
0x57: {  	[hbm:s16], [sflag:s5] =	dma.local [spmem:s0], $0x2780  }
0x58: {  	[hbm:s17], [sflag:s23] =	dma.local [spmem:s1], $0x4F0  }
0x59: {  	p0 =	sne.s32 s31, s18;
	_ =	swait.ge [sflag:s29], $0x2780  }
.Ltmp1:
0x5a: {  	[sflag:s29] =	ssyncset.done $0x0;
	(pc) =	sbr.rel @p0 .LBB2_1-.Ltmp1, $4  }
0x5b: {  	[sflag:s29] =	ssyncadd.s32 $0xFFFFD880  }
0x5c: {  	_ =	swait.ge [sflag:s30], $0x4F0  }
0x5d: {  	[sflag:s30] =	ssyncset.done $0x0  }
0x5e: {  	[sflag:s30] =	ssyncadd.s32 $0xFFFFFB10  }
0x5f: {  	_ =	sfence.sel $0x180000  }
0x60: {  	[bflag:$0x0] =	sbarrier.arrive $0xFFFF  }
0x61: {  	_ =	strace $0x90000047  }
0x62: {  	s0 =	stileid.u32;
	[bflag:$0x2] =	sbarrier.arrive $0xFFFF  }
0x63: {  	p0 =	sne.s32 s0, $0x0;
	s0 =	rddreg [dreg:$0x6]  }
0x64: {  	s0 =	sadd.s32 @!p0 $0x100000, s0  }
0x65: {  	[sflag:s0] =	ssyncadd.tile.s32 @!p0 $0x1;
	_ =	shalt  }
.Lfunc_end2:
_tile_overlayer_lowered:
.L_overlay_start_2:
0x66: {  	(tag) =	ssettag $0x2  }
0x67: {  	s0 =	rddreg [dreg:$0x0];
	s2 =	stileid.u32  }
0x68: {  	s1 =	rddreg [dreg:$0x1];
	p0 =	sne.s32 s2, $0x0  }
0x69: {  	s3 =	rddreg [dreg:$0x2];
	[bflag:$0x3] =	sbarrier.arrive $0xFFFF;
	s2 =	simm.s32 @!p0 $0x1C07  }
0x6a: {  	[timem:s3], [sflag:s2] =	dma.local @!p0 [hbm:s0], s1  }
0x6b: {  	s0 =	simm.s32 @!p0 $0x7  }
0x6c: {  	_ =	swait.ge @!p0 [sflag:s0], s1  }
0x6d: {  	s1 =	ssub.s32 @!p0 $0x0, s1;
	[sflag:s0] =	ssyncset.done @!p0 $0x0  }
0x6e: {  	[sflag:s0] =	ssyncadd.s32 @!p0 s1  }
0x6f: {  	[bflag:$0x3] =	sbarrier.arrive $0xFFFF  }
0x70: {  	_ =	shalt  }

</sc_bundles>
